<compile_context>
chip_gen: v7x
topology: tpu7x:2x2x1
jax: 0.10.2.dev20260603
libtpu: 0.0.44.dev20260713+nightly
codegen_flags: <defaults>
</compile_context>

<pallas_src>
import jax
import jax.numpy as jnp
from jax.experimental import pallas as pl
from jax.experimental.pallas import tpu as pltpu

_NODES = 17
_G_TILE = 120
_R = _G_TILE * _NODES
_F = 128


def _ring_roll_rows(h, k, imod):
    a = jnp.roll(h, -k, axis=0)
    b = jnp.roll(h, _NODES - k, axis=0)
    return jnp.where(imod < _NODES - k, a, b)


def _ring_avg_lanes(h, c):
    w = _NODES * c
    nxt = jnp.concatenate([h[:, c:], h[:, :c]], axis=1)
    prv = jnp.concatenate([h[:, w - c:], h[:, :w - c]], axis=1)
    return (h + nxt + prv) * jnp.float32(1.0 / 3.0)


def _gnn_kernel(x_ref, pool_ref, we1_ref, be1_ref, we2_ref, be2_ref,
                wfc_ref, bfc_ref, bd1_ref, b1_ref, bd2_ref, b2_ref,
                w3_ref, b3_ref, o_ref):
    f32 = jnp.float32
    imod = jax.lax.broadcasted_iota(jnp.int32, (_R, 1), 0) % _NODES

    t = jnp.dot(x_ref[...], we1_ref[...], preferred_element_type=f32)
    t = (t + _ring_roll_rows(t, 1, imod)
         + _ring_roll_rows(t, 16, imod)) * f32(1.0 / 3.0)
    h1 = jnp.maximum(t + be1_ref[...], 0.0)

    gmean = jnp.dot(pool_ref[...], h1, preferred_element_type=f32)
    z = jnp.dot(gmean, we2_ref[...], preferred_element_type=f32) + be2_ref[...]

    z0 = jnp.dot(z, wfc_ref[...], preferred_element_type=f32) + bfc_ref[...]

    d1 = jnp.maximum(
        jnp.dot(_ring_avg_lanes(z0, 8), bd1_ref[...],
                preferred_element_type=f32) + b1_ref[...], 0.0)
    d2 = jnp.maximum(
        jnp.dot(_ring_avg_lanes(d1, 16), bd2_ref[...],
                preferred_element_type=f32) + b2_ref[...], 0.0)
    t32 = _ring_avg_lanes(d2, 32)
    w3 = w3_ref[...]
    o = jnp.concatenate(
        [jnp.dot(t32[:, 32 * i:32 * (i + 1)], w3, preferred_element_type=f32)
         for i in range(_NODES)], axis=1)
    o_ref[...] = o + b3_ref[...]


def kernel(x, edge_index, batch, We1, be1, We2, be2, Wfc, bfc,
           W1, b1, W2, b2, W3, b3):
    del edge_index, batch
    n, f = x.shape
    g = n // _NODES

    pool = jnp.repeat(jnp.eye(_G_TILE, dtype=jnp.float32), _NODES,
                      axis=1) * (1.0 / _NODES)
    eye17 = jnp.eye(_NODES, dtype=jnp.float32)
    bd1 = jnp.kron(eye17, W1)
    bd2 = jnp.kron(eye17, W2)

    def full(shape):
        return pl.BlockSpec(shape, lambda i: (0,) * len(shape))

    out = pl.pallas_call(
        _gnn_kernel,
        grid=(n // _R,),
        in_specs=[
            pl.BlockSpec((_R, f), lambda i: (i, 0)),
            full(pool.shape),
            full(We1.shape), full((1, be1.shape[0])),
            full(We2.shape), full((1, be2.shape[0])),
            full(Wfc.shape), full((1, bfc.shape[0])),
            full(bd1.shape), full((1, _NODES * b1.shape[0])),
            full(bd2.shape), full((1, _NODES * b2.shape[0])),
            full(W3.shape), full((1, _NODES * b3.shape[0])),
        ],
        out_specs=pl.BlockSpec((_G_TILE, _NODES * f), lambda i: (i, 0)),
        out_shape=jax.ShapeDtypeStruct((g, _NODES * f), jnp.float32),
        compiler_params=pltpu.CompilerParams(
            dimension_semantics=("parallel",)),
    )(x, pool, We1, be1.reshape(1, -1), We2, be2.reshape(1, -1),
      Wfc, bfc.reshape(1, -1),
      bd1, jnp.tile(b1, _NODES).reshape(1, -1),
      bd2, jnp.tile(b2, _NODES).reshape(1, -1),
      W3, jnp.tile(b3, _NODES).reshape(1, -1))
    return out.reshape(g, _NODES, f)

# --- scband reference (transcript-rebuilt; emitter-appended) ---
"""Pipeline reference for scband-gnn-autoencoder-circle-87909390615183 (READ-ONLY COPY).

The authoritative reference and input builder live on the scoring server;
editing this copy changes nothing except your own understanding.
"""

import jax, jax.numpy as jnp
import numpy as np

NUM_NODES_PER_GRAPH = 17
NUM_GRAPHS = 6000
N = NUM_GRAPHS * NUM_NODES_PER_GRAPH  # 102000
FEATURE_NUM = 128


def _ring_edge_index():
    # circle graph: each of the 6000 graphs is a 17-node ring, bidirectional
    g = np.arange(NUM_GRAPHS).repeat(NUM_NODES_PER_GRAPH) * NUM_NODES_PER_GRAPH
    i = np.tile(np.arange(NUM_NODES_PER_GRAPH), NUM_GRAPHS)
    src = g + i
    dst = g + (i + 1) % NUM_NODES_PER_GRAPH
    ei = np.stack([np.concatenate([src, dst]), np.concatenate([dst, src])], axis=0)
    return jnp.asarray(ei, dtype=jnp.int64)


def gcn_conv(x, edge_index, W, b, num_nodes):
    src = edge_index[0]
    dst = edge_index[1]
    loop = jnp.arange(num_nodes, dtype=src.dtype)
    src = jnp.concatenate([src, loop])
    dst = jnp.concatenate([dst, loop])
    deg = jax.ops.segment_sum(jnp.ones(src.shape[0], dtype=x.dtype), dst, num_segments=num_nodes)
    dinv = jnp.where(deg > 0, jax.lax.rsqrt(jnp.maximum(deg, 1e-12)), 0.0)
    norm = dinv[src] * dinv[dst]
    h = x @ W
    msg = h[src] * norm[:, None]
    out = jax.ops.segment_sum(msg, dst, num_segments=num_nodes)
    return out + b


def setup_inputs(seed: int = 0) -> dict:
    key = jax.random.key(seed)
    ks = jax.random.split(key, 16)
    x = jax.random.normal(ks[0], (N, FEATURE_NUM), dtype=jnp.float32)
    edge_index = _ring_edge_index()
    batch = jnp.asarray(np.arange(N) // NUM_NODES_PER_GRAPH, dtype=jnp.int64)
    def glorot(k, shape):
        lim = float(np.sqrt(6.0 / (shape[0] + shape[1])))
        return jax.random.uniform(k, shape, dtype=jnp.float32, minval=-lim, maxval=lim)
    return {
        "x": x,
        "edge_index": edge_index,
        "batch": batch,
        # encoder params: GCNConv(128->64), GCNConv(64->128), global mean pool
        "We1": glorot(ks[1], (FEATURE_NUM, 64)), "be1": jnp.zeros((64,), jnp.float32),
        "We2": glorot(ks[2], (64, FEATURE_NUM)), "be2": jnp.zeros((FEATURE_NUM,), jnp.float32),
        # fc_expand: Linear(feature_num -> num_nodes*8)
        "Wfc": glorot(ks[3], (FEATURE_NUM, NUM_NODES_PER_GRAPH * 8)),
        "bfc": jnp.zeros((NUM_NODES_PER_GRAPH * 8,), jnp.float32),
        # decoder GCNConvs
        "W1": glorot(ks[4], (8, 16)), "b1": jnp.zeros((16,), jnp.float32),
        "W2": glorot(ks[5], (16, 32)), "b2": jnp.zeros((32,), jnp.float32),
        "W3": glorot(ks[6], (32, FEATURE_NUM)), "b3": jnp.zeros((FEATURE_NUM,), jnp.float32),
    }


def reference(x, edge_index, batch, We1, be1, We2, be2, Wfc, bfc, W1, b1, W2, b2, W3, b3):
    num_nodes = x.shape[0]
    num_graphs = num_nodes // NUM_NODES_PER_GRAPH
    # ---- encode ----
    h = jax.nn.relu(gcn_conv(x, edge_index, We1, be1, num_nodes))
    h = gcn_conv(h, edge_index, We2, be2, num_nodes)
    sums = jax.ops.segment_sum(h, batch, num_segments=num_graphs)
    cnts = jax.ops.segment_sum(jnp.ones((num_nodes,), h.dtype), batch, num_segments=num_graphs)
    z = sums / jnp.maximum(cnts, 1.0)[:, None]
    # ---- decode ----
    z = z @ Wfc + bfc                      # [G, 17*8]
    z = z.reshape(-1, NUM_NODES_PER_GRAPH, 8)
    z = z.reshape(-1, 8)                   # [G*17, 8]
    z = jax.nn.relu(gcn_conv(z, edge_index, W1, b1, num_nodes))
    z = jax.nn.relu(gcn_conv(z, edge_index, W2, b2, num_nodes))
    z = gcn_conv(z, edge_index, W3, b3, num_nodes)
    return z.reshape(-1, NUM_NODES_PER_GRAPH, FEATURE_NUM)

if __name__ == "__main__":
    import jax
    _d = setup_inputs()
    print(jax.jit(kernel)(*tuple(_d.values())))

</pallas_src>

<mosaic_0001>
module attributes {stable_mosaic.version = 14 : i64} {
  func.func @_gnn_kernel(%arg0: i32, %arg1: memref<2040x128xf32, #tpu.memory_space<vmem>>, %arg2: memref<120x2040xf32, #tpu.memory_space<vmem>>, %arg3: memref<128x64xf32, #tpu.memory_space<vmem>>, %arg4: memref<1x64xf32, #tpu.memory_space<vmem>>, %arg5: memref<64x128xf32, #tpu.memory_space<vmem>>, %arg6: memref<1x128xf32, #tpu.memory_space<vmem>>, %arg7: memref<128x136xf32, #tpu.memory_space<vmem>>, %arg8: memref<1x136xf32, #tpu.memory_space<vmem>>, %arg9: memref<136x272xf32, #tpu.memory_space<vmem>>, %arg10: memref<1x272xf32, #tpu.memory_space<vmem>>, %arg11: memref<272x544xf32, #tpu.memory_space<vmem>>, %arg12: memref<1x544xf32, #tpu.memory_space<vmem>>, %arg13: memref<32x128xf32, #tpu.memory_space<vmem>>, %arg14: memref<1x2176xf32, #tpu.memory_space<vmem>>, %arg15: memref<120x2176xf32, #tpu.memory_space<vmem>>) attributes {dimension_semantics = [#tpu.dimension_semantics<parallel>], iteration_bounds = array<i64: 50>, scalar_prefetch = 0 : i64, scratch_operands = 0 : i64, tpu.core_type = #tpu.core_type<tc>, window_params = [{transform_indices = @transform_0, window_bounds = array<i64: 2040, 128>}, {pipeline_mode = #tpu.pipeline_mode<synchronous>, transform_indices = @transform_1, window_bounds = array<i64: 120, 2040>}, {pipeline_mode = #tpu.pipeline_mode<synchronous>, transform_indices = @transform_2, window_bounds = array<i64: 128, 64>}, {pipeline_mode = #tpu.pipeline_mode<synchronous>, transform_indices = @transform_3, window_bounds = array<i64: 1, 64>}, {pipeline_mode = #tpu.pipeline_mode<synchronous>, transform_indices = @transform_4, window_bounds = array<i64: 64, 128>}, {pipeline_mode = #tpu.pipeline_mode<synchronous>, transform_indices = @transform_5, window_bounds = array<i64: 1, 128>}, {pipeline_mode = #tpu.pipeline_mode<synchronous>, transform_indices = @transform_6, window_bounds = array<i64: 128, 136>}, {pipeline_mode = #tpu.pipeline_mode<synchronous>, transform_indices = @transform_7, window_bounds = array<i64: 1, 136>}, {pipeline_mode = #tpu.pipeline_mode<synchronous>, transform_indices = @transform_8, window_bounds = array<i64: 136, 272>}, {pipeline_mode = #tpu.pipeline_mode<synchronous>, transform_indices = @transform_9, window_bounds = array<i64: 1, 272>}, {pipeline_mode = #tpu.pipeline_mode<synchronous>, transform_indices = @transform_10, window_bounds = array<i64: 272, 544>}, {pipeline_mode = #tpu.pipeline_mode<synchronous>, transform_indices = @transform_11, window_bounds = array<i64: 1, 544>}, {pipeline_mode = #tpu.pipeline_mode<synchronous>, transform_indices = @transform_12, window_bounds = array<i64: 32, 128>}, {pipeline_mode = #tpu.pipeline_mode<synchronous>, transform_indices = @transform_13, window_bounds = array<i64: 1, 2176>}, {transform_indices = @transform_14, window_bounds = array<i64: 120, 2176>}]} {
    %iota3A = tpu.iota {dimensions = array<i32: 0>} : vector<2040x1xi32>
    %jit3A = arith.constant 17 : i32
    %eq3A = arith.constant 0 : i32
    %eq3A_0 = arith.cmpi eq, %jit3A, %eq3A : i32
    %jit3A_1 = arith.constant 1 : i32
    %select_n3A = arith.select %eq3A_0, %jit3A_1, %jit3A : i32
    %rem3A = vector.broadcast %select_n3A : i32 to vector<2040x1xi32>
    %rem3A_2 = arith.remsi %iota3A, %rem3A : vector<2040x1xi32>
    %ne3A = arith.constant 0 : i32
    %ne3A_3 = vector.broadcast %ne3A : i32 to vector<2040x1xi32>
    %ne3A_4 = arith.cmpi ne, %rem3A_2, %ne3A_3 : vector<2040x1xi32>
    %lt3A = arith.constant 0 : i32
    %lt3A_5 = vector.broadcast %lt3A : i32 to vector<2040x1xi32>
    %lt3A_6 = arith.cmpi slt, %rem3A_2, %lt3A_5 : vector<2040x1xi32>
    %lt3A_7 = arith.constant 0 : i32
    %lt3A_8 = arith.cmpi slt, %select_n3A, %lt3A_7 : i32
    %ne3A_9 = vector.broadcast %lt3A_8 : i1 to vector<2040x1xi1>
    %ne3A_10 = vector.broadcast %ne3A_9 : vector<2040x1xi1> to vector<2040x1xi1>
    %ne3A_11 = arith.xori %lt3A_6, %ne3A_10 : vector<2040x1xi1>
    %and3A = arith.andi %ne3A_11, %ne3A_4 : vector<2040x1xi1>
    %add3A = vector.broadcast %select_n3A : i32 to vector<2040x1xi32>
    %add3A_12 = arith.addi %rem3A_2, %add3A : vector<2040x1xi32>
    %select_n3A_13 = arith.select %and3A, %add3A_12, %rem3A_2 : vector<2040x1xi1>, vector<2040x1xi32>
    %get3A = arith.constant 0 : index
    %get3A_14 = arith.constant 0 : index
    %get3A_15 = vector.load %arg1[%get3A, %get3A_14] : memref<2040x128xf32, #tpu.memory_space<vmem>>, vector<2040x128xf32>
    %get3A_16 = arith.constant 0 : index
    %get3A_17 = arith.constant 0 : index
    %get3A_18 = vector.load %arg3[%get3A_16, %get3A_17] : memref<128x64xf32, #tpu.memory_space<vmem>>, vector<128x64xf32>
    %dot_general3A = arith.constant dense<0.000000e+00> : vector<2040x64xf32>
    %dot_general3A_19 = tpu.matmul %get3A_15, %get3A_18, %dot_general3A {dimension_numbers = #tpu.dot_dimension_numbers<[1], [0], [0], [1], [0, 0, 1, 1], [], []>, transpose_lhs_hint = false} : vector<2040x128xf32>, vector<128x64xf32>, vector<2040x64xf32> -> vector<2040x64xf32>
    %slice3A = vector.extract_strided_slice %dot_general3A_19 {offsets = [1, 0], sizes = [2039, 64], strides = [1, 1]} : vector<2040x64xf32> to vector<2039x64xf32>
    %slice3A_20 = vector.extract_strided_slice %dot_general3A_19 {offsets = [0, 0], sizes = [1, 64], strides = [1, 1]} : vector<2040x64xf32> to vector<1x64xf32>
    %concatenate3A = tpu.concatenate %slice3A, %slice3A_20 in 0 : vector<2039x64xf32>, vector<1x64xf32> -> vector<2040x64xf32>
    %slice3A_21 = vector.extract_strided_slice %dot_general3A_19 {offsets = [2024, 0], sizes = [16, 64], strides = [1, 1]} : vector<2040x64xf32> to vector<16x64xf32>
    %slice3A_22 = vector.extract_strided_slice %dot_general3A_19 {offsets = [0, 0], sizes = [2024, 64], strides = [1, 1]} : vector<2040x64xf32> to vector<2024x64xf32>
    %concatenate3A_23 = tpu.concatenate %slice3A_21, %slice3A_22 in 0 : vector<16x64xf32>, vector<2024x64xf32> -> vector<2040x64xf32>
    %lt3A_24 = arith.constant 16 : i32
    %lt3A_25 = vector.broadcast %lt3A_24 : i32 to vector<2040x1xi32>
    %lt3A_26 = arith.cmpi slt, %select_n3A_13, %lt3A_25 : vector<2040x1xi32>
    %broadcast_in_dim3A = vector.shape_cast %lt3A_26 : vector<2040x1xi1> to vector<2040x1xi1>
    %broadcast_in_dim3A_27 = vector.broadcast %broadcast_in_dim3A : vector<2040x1xi1> to vector<2040x64xi1>
    %select_n3A_28 = arith.select %broadcast_in_dim3A_27, %concatenate3A, %concatenate3A_23 : vector<2040x64xi1>, vector<2040x64xf32>
    %add3A_29 = arith.addf %dot_general3A_19, %select_n3A_28 : vector<2040x64xf32>
    %slice3A_30 = vector.extract_strided_slice %dot_general3A_19 {offsets = [16, 0], sizes = [2024, 64], strides = [1, 1]} : vector<2040x64xf32> to vector<2024x64xf32>
    %slice3A_31 = vector.extract_strided_slice %dot_general3A_19 {offsets = [0, 0], sizes = [16, 64], strides = [1, 1]} : vector<2040x64xf32> to vector<16x64xf32>
    %concatenate3A_32 = tpu.concatenate %slice3A_30, %slice3A_31 in 0 : vector<2024x64xf32>, vector<16x64xf32> -> vector<2040x64xf32>
    %slice3A_33 = vector.extract_strided_slice %dot_general3A_19 {offsets = [2039, 0], sizes = [1, 64], strides = [1, 1]} : vector<2040x64xf32> to vector<1x64xf32>
    %slice3A_34 = vector.extract_strided_slice %dot_general3A_19 {offsets = [0, 0], sizes = [2039, 64], strides = [1, 1]} : vector<2040x64xf32> to vector<2039x64xf32>
    %concatenate3A_35 = tpu.concatenate %slice3A_33, %slice3A_34 in 0 : vector<1x64xf32>, vector<2039x64xf32> -> vector<2040x64xf32>
    %lt3A_36 = arith.constant 1 : i32
    %lt3A_37 = vector.broadcast %lt3A_36 : i32 to vector<2040x1xi32>
    %lt3A_38 = arith.cmpi slt, %select_n3A_13, %lt3A_37 : vector<2040x1xi32>
    %broadcast_in_dim3A_39 = vector.shape_cast %lt3A_38 : vector<2040x1xi1> to vector<2040x1xi1>
    %broadcast_in_dim3A_40 = vector.broadcast %broadcast_in_dim3A_39 : vector<2040x1xi1> to vector<2040x64xi1>
    %select_n3A_41 = arith.select %broadcast_in_dim3A_40, %concatenate3A_32, %concatenate3A_35 : vector<2040x64xi1>, vector<2040x64xf32>
    %add3A_42 = arith.addf %add3A_29, %select_n3A_41 : vector<2040x64xf32>
    %mul3A = arith.constant 0.333333343 : f32
    %mul3A_43 = vector.broadcast %mul3A : f32 to vector<2040x64xf32>
    %mul3A_44 = arith.mulf %add3A_42, %mul3A_43 : vector<2040x64xf32>
    %get3A_45 = arith.constant 0 : index
    %get3A_46 = arith.constant 0 : index
    %get3A_47 = vector.load %arg4[%get3A_45, %get3A_46] : memref<1x64xf32, #tpu.memory_space<vmem>>, vector<1x64xf32>
    %add3A_48 = vector.broadcast %get3A_47 : vector<1x64xf32> to vector<2040x64xf32>
    %add3A_49 = arith.addf %mul3A_44, %add3A_48 : vector<2040x64xf32>
    %max3A = arith.constant 0.000000e+00 : f32
    %max3A_50 = vector.broadcast %max3A : f32 to vector<2040x64xf32>
    %max3A_51 = arith.maximumf %add3A_49, %max3A_50 : vector<2040x64xf32>
    %get3A_52 = arith.constant 0 : index
    %get3A_53 = arith.constant 0 : index
    %get3A_54 = vector.load %arg2[%get3A_52, %get3A_53] : memref<120x2040xf32, #tpu.memory_space<vmem>>, vector<120x2040xf32>
    %dot_general3A_55 = arith.constant dense<0.000000e+00> : vector<120x64xf32>
    %dot_general3A_56 = tpu.matmul %get3A_54, %max3A_51, %dot_general3A_55 {dimension_numbers = #tpu.dot_dimension_numbers<[1], [0], [0], [1], [0, 0, 1, 1], [], []>, transpose_lhs_hint = false} : vector<120x2040xf32>, vector<2040x64xf32>, vector<120x64xf32> -> vector<120x64xf32>
    %get3A_57 = arith.constant 0 : index
    %get3A_58 = arith.constant 0 : index
    %get3A_59 = vector.load %arg5[%get3A_57, %get3A_58] : memref<64x128xf32, #tpu.memory_space<vmem>>, vector<64x128xf32>
    %dot_general3A_60 = arith.constant dense<0.000000e+00> : vector<120x128xf32>
    %dot_general3A_61 = tpu.matmul %dot_general3A_56, %get3A_59, %dot_general3A_60 {dimension_numbers = #tpu.dot_dimension_numbers<[1], [0], [0], [1], [0, 0, 1, 1], [], []>, transpose_lhs_hint = false} : vector<120x64xf32>, vector<64x128xf32>, vector<120x128xf32> -> vector<120x128xf32>
    %get3A_62 = arith.constant 0 : index
    %get3A_63 = arith.constant 0 : index
    %get3A_64 = vector.load %arg6[%get3A_62, %get3A_63] : memref<1x128xf32, #tpu.memory_space<vmem>>, vector<1x128xf32>
    %add3A_65 = vector.broadcast %get3A_64 : vector<1x128xf32> to vector<120x128xf32>
    %add3A_66 = arith.addf %dot_general3A_61, %add3A_65 : vector<120x128xf32>
    %get3A_67 = arith.constant 0 : index
    %get3A_68 = arith.constant 0 : index
    %get3A_69 = vector.load %arg7[%get3A_67, %get3A_68] : memref<128x136xf32, #tpu.memory_space<vmem>>, vector<128x136xf32>
    %dot_general3A_70 = arith.constant dense<0.000000e+00> : vector<120x136xf32>
    %dot_general3A_71 = tpu.matmul %add3A_66, %get3A_69, %dot_general3A_70 {dimension_numbers = #tpu.dot_dimension_numbers<[1], [0], [0], [1], [0, 0, 1, 1], [], []>, transpose_lhs_hint = false} : vector<120x128xf32>, vector<128x136xf32>, vector<120x136xf32> -> vector<120x136xf32>
    %get3A_72 = arith.constant 0 : index
    %get3A_73 = arith.constant 0 : index
    %get3A_74 = vector.load %arg8[%get3A_72, %get3A_73] : memref<1x136xf32, #tpu.memory_space<vmem>>, vector<1x136xf32>
    %add3A_75 = vector.broadcast %get3A_74 : vector<1x136xf32> to vector<120x136xf32>
    %add3A_76 = arith.addf %dot_general3A_71, %add3A_75 : vector<120x136xf32>
    %slice3A_77 = vector.extract_strided_slice %add3A_76 {offsets = [0, 8], sizes = [120, 128], strides = [1, 1]} : vector<120x136xf32> to vector<120x128xf32>
    %slice3A_78 = vector.extract_strided_slice %add3A_76 {offsets = [0, 0], sizes = [120, 8], strides = [1, 1]} : vector<120x136xf32> to vector<120x8xf32>
    %concatenate3A_79 = tpu.concatenate %slice3A_77, %slice3A_78 in 1 : vector<120x128xf32>, vector<120x8xf32> -> vector<120x136xf32>
    %slice3A_80 = vector.extract_strided_slice %add3A_76 {offsets = [0, 128], sizes = [120, 8], strides = [1, 1]} : vector<120x136xf32> to vector<120x8xf32>
    %slice3A_81 = vector.extract_strided_slice %add3A_76 {offsets = [0, 0], sizes = [120, 128], strides = [1, 1]} : vector<120x136xf32> to vector<120x128xf32>
    %concatenate3A_82 = tpu.concatenate %slice3A_80, %slice3A_81 in 1 : vector<120x8xf32>, vector<120x128xf32> -> vector<120x136xf32>
    %add3A_83 = arith.addf %add3A_76, %concatenate3A_79 : vector<120x136xf32>
    %add3A_84 = arith.addf %add3A_83, %concatenate3A_82 : vector<120x136xf32>
    %mul3A_85 = arith.constant 0.333333343 : f32
    %mul3A_86 = vector.broadcast %mul3A_85 : f32 to vector<120x136xf32>
    %mul3A_87 = arith.mulf %add3A_84, %mul3A_86 : vector<120x136xf32>
    %get3A_88 = arith.constant 0 : index
    %get3A_89 = arith.constant 0 : index
    %get3A_90 = vector.load %arg9[%get3A_88, %get3A_89] : memref<136x272xf32, #tpu.memory_space<vmem>>, vector<136x272xf32>
    %dot_general3A_91 = arith.constant dense<0.000000e+00> : vector<120x272xf32>
    %dot_general3A_92 = tpu.matmul %mul3A_87, %get3A_90, %dot_general3A_91 {dimension_numbers = #tpu.dot_dimension_numbers<[1], [0], [0], [1], [0, 0, 1, 1], [], []>, transpose_lhs_hint = false} : vector<120x136xf32>, vector<136x272xf32>, vector<120x272xf32> -> vector<120x272xf32>
    %get3A_93 = arith.constant 0 : index
    %get3A_94 = arith.constant 0 : index
    %get3A_95 = vector.load %arg10[%get3A_93, %get3A_94] : memref<1x272xf32, #tpu.memory_space<vmem>>, vector<1x272xf32>
    %add3A_96 = vector.broadcast %get3A_95 : vector<1x272xf32> to vector<120x272xf32>
    %add3A_97 = arith.addf %dot_general3A_92, %add3A_96 : vector<120x272xf32>
    %max3A_98 = arith.constant 0.000000e+00 : f32
    %max3A_99 = vector.broadcast %max3A_98 : f32 to vector<120x272xf32>
    %max3A_100 = arith.maximumf %add3A_97, %max3A_99 : vector<120x272xf32>
    %slice3A_101 = vector.extract_strided_slice %max3A_100 {offsets = [0, 16], sizes = [120, 256], strides = [1, 1]} : vector<120x272xf32> to vector<120x256xf32>
    %slice3A_102 = vector.extract_strided_slice %max3A_100 {offsets = [0, 0], sizes = [120, 16], strides = [1, 1]} : vector<120x272xf32> to vector<120x16xf32>
    %concatenate3A_103 = tpu.concatenate %slice3A_101, %slice3A_102 in 1 : vector<120x256xf32>, vector<120x16xf32> -> vector<120x272xf32>
    %slice3A_104 = vector.extract_strided_slice %max3A_100 {offsets = [0, 256], sizes = [120, 16], strides = [1, 1]} : vector<120x272xf32> to vector<120x16xf32>
    %slice3A_105 = vector.extract_strided_slice %max3A_100 {offsets = [0, 0], sizes = [120, 256], strides = [1, 1]} : vector<120x272xf32> to vector<120x256xf32>
    %concatenate3A_106 = tpu.concatenate %slice3A_104, %slice3A_105 in 1 : vector<120x16xf32>, vector<120x256xf32> -> vector<120x272xf32>
    %add3A_107 = arith.addf %max3A_100, %concatenate3A_103 : vector<120x272xf32>
    %add3A_108 = arith.addf %add3A_107, %concatenate3A_106 : vector<120x272xf32>
    %mul3A_109 = arith.constant 0.333333343 : f32
    %mul3A_110 = vector.broadcast %mul3A_109 : f32 to vector<120x272xf32>
    %mul3A_111 = arith.mulf %add3A_108, %mul3A_110 : vector<120x272xf32>
    %get3A_112 = arith.constant 0 : index
    %get3A_113 = arith.constant 0 : index
    %get3A_114 = vector.load %arg11[%get3A_112, %get3A_113] : memref<272x544xf32, #tpu.memory_space<vmem>>, vector<272x544xf32>
    %dot_general3A_115 = arith.constant dense<0.000000e+00> : vector<120x544xf32>
    %dot_general3A_116 = tpu.matmul %mul3A_111, %get3A_114, %dot_general3A_115 {dimension_numbers = #tpu.dot_dimension_numbers<[1], [0], [0], [1], [0, 0, 1, 1], [], []>, transpose_lhs_hint = false} : vector<120x272xf32>, vector<272x544xf32>, vector<120x544xf32> -> vector<120x544xf32>
    %get3A_117 = arith.constant 0 : index
    %get3A_118 = arith.constant 0 : index
    %get3A_119 = vector.load %arg12[%get3A_117, %get3A_118] : memref<1x544xf32, #tpu.memory_space<vmem>>, vector<1x544xf32>
    %add3A_120 = vector.broadcast %get3A_119 : vector<1x544xf32> to vector<120x544xf32>
    %add3A_121 = arith.addf %dot_general3A_116, %add3A_120 : vector<120x544xf32>
    %max3A_122 = arith.constant 0.000000e+00 : f32
    %max3A_123 = vector.broadcast %max3A_122 : f32 to vector<120x544xf32>
    %max3A_124 = arith.maximumf %add3A_121, %max3A_123 : vector<120x544xf32>
    %slice3A_125 = vector.extract_strided_slice %max3A_124 {offsets = [0, 32], sizes = [120, 512], strides = [1, 1]} : vector<120x544xf32> to vector<120x512xf32>
    %slice3A_126 = vector.extract_strided_slice %max3A_124 {offsets = [0, 0], sizes = [120, 32], strides = [1, 1]} : vector<120x544xf32> to vector<120x32xf32>
    %concatenate3A_127 = tpu.concatenate %slice3A_125, %slice3A_126 in 1 : vector<120x512xf32>, vector<120x32xf32> -> vector<120x544xf32>
    %slice3A_128 = vector.extract_strided_slice %max3A_124 {offsets = [0, 512], sizes = [120, 32], strides = [1, 1]} : vector<120x544xf32> to vector<120x32xf32>
    %slice3A_129 = vector.extract_strided_slice %max3A_124 {offsets = [0, 0], sizes = [120, 512], strides = [1, 1]} : vector<120x544xf32> to vector<120x512xf32>
    %concatenate3A_130 = tpu.concatenate %slice3A_128, %slice3A_129 in 1 : vector<120x32xf32>, vector<120x512xf32> -> vector<120x544xf32>
    %add3A_131 = arith.addf %max3A_124, %concatenate3A_127 : vector<120x544xf32>
    %add3A_132 = arith.addf %add3A_131, %concatenate3A_130 : vector<120x544xf32>
    %mul3A_133 = arith.constant 0.333333343 : f32
    %mul3A_134 = vector.broadcast %mul3A_133 : f32 to vector<120x544xf32>
    %mul3A_135 = arith.mulf %add3A_132, %mul3A_134 : vector<120x544xf32>
    %get3A_136 = arith.constant 0 : index
    %get3A_137 = arith.constant 0 : index
    %get3A_138 = vector.load %arg13[%get3A_136, %get3A_137] : memref<32x128xf32, #tpu.memory_space<vmem>>, vector<32x128xf32>
    %slice3A_139 = vector.extract_strided_slice %mul3A_135 {offsets = [0, 0], sizes = [120, 32], strides = [1, 1]} : vector<120x544xf32> to vector<120x32xf32>
    %dot_general3A_140 = arith.constant dense<0.000000e+00> : vector<120x128xf32>
    %dot_general3A_141 = tpu.matmul %slice3A_139, %get3A_138, %dot_general3A_140 {dimension_numbers = #tpu.dot_dimension_numbers<[1], [0], [0], [1], [0, 0, 1, 1], [], []>, transpose_lhs_hint = false} : vector<120x32xf32>, vector<32x128xf32>, vector<120x128xf32> -> vector<120x128xf32>
    %slice3A_142 = vector.extract_strided_slice %mul3A_135 {offsets = [0, 32], sizes = [120, 32], strides = [1, 1]} : vector<120x544xf32> to vector<120x32xf32>
    %dot_general3A_143 = arith.constant dense<0.000000e+00> : vector<120x128xf32>
    %dot_general3A_144 = tpu.matmul %slice3A_142, %get3A_138, %dot_general3A_143 {dimension_numbers = #tpu.dot_dimension_numbers<[1], [0], [0], [1], [0, 0, 1, 1], [], []>, transpose_lhs_hint = false} : vector<120x32xf32>, vector<32x128xf32>, vector<120x128xf32> -> vector<120x128xf32>
    %slice3A_145 = vector.extract_strided_slice %mul3A_135 {offsets = [0, 64], sizes = [120, 32], strides = [1, 1]} : vector<120x544xf32> to vector<120x32xf32>
    %dot_general3A_146 = arith.constant dense<0.000000e+00> : vector<120x128xf32>
    %dot_general3A_147 = tpu.matmul %slice3A_145, %get3A_138, %dot_general3A_146 {dimension_numbers = #tpu.dot_dimension_numbers<[1], [0], [0], [1], [0, 0, 1, 1], [], []>, transpose_lhs_hint = false} : vector<120x32xf32>, vector<32x128xf32>, vector<120x128xf32> -> vector<120x128xf32>
    %slice3A_148 = vector.extract_strided_slice %mul3A_135 {offsets = [0, 96], sizes = [120, 32], strides = [1, 1]} : vector<120x544xf32> to vector<120x32xf32>
    %dot_general3A_149 = arith.constant dense<0.000000e+00> : vector<120x128xf32>
    %dot_general3A_150 = tpu.matmul %slice3A_148, %get3A_138, %dot_general3A_149 {dimension_numbers = #tpu.dot_dimension_numbers<[1], [0], [0], [1], [0, 0, 1, 1], [], []>, transpose_lhs_hint = false} : vector<120x32xf32>, vector<32x128xf32>, vector<120x128xf32> -> vector<120x128xf32>
    %slice3A_151 = vector.extract_strided_slice %mul3A_135 {offsets = [0, 128], sizes = [120, 32], strides = [1, 1]} : vector<120x544xf32> to vector<120x32xf32>
    %dot_general3A_152 = arith.constant dense<0.000000e+00> : vector<120x128xf32>
    %dot_general3A_153 = tpu.matmul %slice3A_151, %get3A_138, %dot_general3A_152 {dimension_numbers = #tpu.dot_dimension_numbers<[1], [0], [0], [1], [0, 0, 1, 1], [], []>, transpose_lhs_hint = false} : vector<120x32xf32>, vector<32x128xf32>, vector<120x128xf32> -> vector<120x128xf32>
    %slice3A_154 = vector.extract_strided_slice %mul3A_135 {offsets = [0, 160], sizes = [120, 32], strides = [1, 1]} : vector<120x544xf32> to vector<120x32xf32>
    %dot_general3A_155 = arith.constant dense<0.000000e+00> : vector<120x128xf32>
    %dot_general3A_156 = tpu.matmul %slice3A_154, %get3A_138, %dot_general3A_155 {dimension_numbers = #tpu.dot_dimension_numbers<[1], [0], [0], [1], [0, 0, 1, 1], [], []>, transpose_lhs_hint = false} : vector<120x32xf32>, vector<32x128xf32>, vector<120x128xf32> -> vector<120x128xf32>
    %slice3A_157 = vector.extract_strided_slice %mul3A_135 {offsets = [0, 192], sizes = [120, 32], strides = [1, 1]} : vector<120x544xf32> to vector<120x32xf32>
    %dot_general3A_158 = arith.constant dense<0.000000e+00> : vector<120x128xf32>
    %dot_general3A_159 = tpu.matmul %slice3A_157, %get3A_138, %dot_general3A_158 {dimension_numbers = #tpu.dot_dimension_numbers<[1], [0], [0], [1], [0, 0, 1, 1], [], []>, transpose_lhs_hint = false} : vector<120x32xf32>, vector<32x128xf32>, vector<120x128xf32> -> vector<120x128xf32>
    %slice3A_160 = vector.extract_strided_slice %mul3A_135 {offsets = [0, 224], sizes = [120, 32], strides = [1, 1]} : vector<120x544xf32> to vector<120x32xf32>
    %dot_general3A_161 = arith.constant dense<0.000000e+00> : vector<120x128xf32>
    %dot_general3A_162 = tpu.matmul %slice3A_160, %get3A_138, %dot_general3A_161 {dimension_numbers = #tpu.dot_dimension_numbers<[1], [0], [0], [1], [0, 0, 1, 1], [], []>, transpose_lhs_hint = false} : vector<120x32xf32>, vector<32x128xf32>, vector<120x128xf32> -> vector<120x128xf32>
    %slice3A_163 = vector.extract_strided_slice %mul3A_135 {offsets = [0, 256], sizes = [120, 32], strides = [1, 1]} : vector<120x544xf32> to vector<120x32xf32>
    %dot_general3A_164 = arith.constant dense<0.000000e+00> : vector<120x128xf32>
    %dot_general3A_165 = tpu.matmul %slice3A_163, %get3A_138, %dot_general3A_164 {dimension_numbers = #tpu.dot_dimension_numbers<[1], [0], [0], [1], [0, 0, 1, 1], [], []>, transpose_lhs_hint = false} : vector<120x32xf32>, vector<32x128xf32>, vector<120x128xf32> -> vector<120x128xf32>
    %slice3A_166 = vector.extract_strided_slice %mul3A_135 {offsets = [0, 288], sizes = [120, 32], strides = [1, 1]} : vector<120x544xf32> to vector<120x32xf32>
    %dot_general3A_167 = arith.constant dense<0.000000e+00> : vector<120x128xf32>
    %dot_general3A_168 = tpu.matmul %slice3A_166, %get3A_138, %dot_general3A_167 {dimension_numbers = #tpu.dot_dimension_numbers<[1], [0], [0], [1], [0, 0, 1, 1], [], []>, transpose_lhs_hint = false} : vector<120x32xf32>, vector<32x128xf32>, vector<120x128xf32> -> vector<120x128xf32>
    %slice3A_169 = vector.extract_strided_slice %mul3A_135 {offsets = [0, 320], sizes = [120, 32], strides = [1, 1]} : vector<120x544xf32> to vector<120x32xf32>
    %dot_general3A_170 = arith.constant dense<0.000000e+00> : vector<120x128xf32>
    %dot_general3A_171 = tpu.matmul %slice3A_169, %get3A_138, %dot_general3A_170 {dimension_numbers = #tpu.dot_dimension_numbers<[1], [0], [0], [1], [0, 0, 1, 1], [], []>, transpose_lhs_hint = false} : vector<120x32xf32>, vector<32x128xf32>, vector<120x128xf32> -> vector<120x128xf32>
    %slice3A_172 = vector.extract_strided_slice %mul3A_135 {offsets = [0, 352], sizes = [120, 32], strides = [1, 1]} : vector<120x544xf32> to vector<120x32xf32>
    %dot_general3A_173 = arith.constant dense<0.000000e+00> : vector<120x128xf32>
    %dot_general3A_174 = tpu.matmul %slice3A_172, %get3A_138, %dot_general3A_173 {dimension_numbers = #tpu.dot_dimension_numbers<[1], [0], [0], [1], [0, 0, 1, 1], [], []>, transpose_lhs_hint = false} : vector<120x32xf32>, vector<32x128xf32>, vector<120x128xf32> -> vector<120x128xf32>
    %slice3A_175 = vector.extract_strided_slice %mul3A_135 {offsets = [0, 384], sizes = [120, 32], strides = [1, 1]} : vector<120x544xf32> to vector<120x32xf32>
    %dot_general3A_176 = arith.constant dense<0.000000e+00> : vector<120x128xf32>
    %dot_general3A_177 = tpu.matmul %slice3A_175, %get3A_138, %dot_general3A_176 {dimension_numbers = #tpu.dot_dimension_numbers<[1], [0], [0], [1], [0, 0, 1, 1], [], []>, transpose_lhs_hint = false} : vector<120x32xf32>, vector<32x128xf32>, vector<120x128xf32> -> vector<120x128xf32>
    %slice3A_178 = vector.extract_strided_slice %mul3A_135 {offsets = [0, 416], sizes = [120, 32], strides = [1, 1]} : vector<120x544xf32> to vector<120x32xf32>
    %dot_general3A_179 = arith.constant dense<0.000000e+00> : vector<120x128xf32>
    %dot_general3A_180 = tpu.matmul %slice3A_178, %get3A_138, %dot_general3A_179 {dimension_numbers = #tpu.dot_dimension_numbers<[1], [0], [0], [1], [0, 0, 1, 1], [], []>, transpose_lhs_hint = false} : vector<120x32xf32>, vector<32x128xf32>, vector<120x128xf32> -> vector<120x128xf32>
    %slice3A_181 = vector.extract_strided_slice %mul3A_135 {offsets = [0, 448], sizes = [120, 32], strides = [1, 1]} : vector<120x544xf32> to vector<120x32xf32>
    %dot_general3A_182 = arith.constant dense<0.000000e+00> : vector<120x128xf32>
    %dot_general3A_183 = tpu.matmul %slice3A_181, %get3A_138, %dot_general3A_182 {dimension_numbers = #tpu.dot_dimension_numbers<[1], [0], [0], [1], [0, 0, 1, 1], [], []>, transpose_lhs_hint = false} : vector<120x32xf32>, vector<32x128xf32>, vector<120x128xf32> -> vector<120x128xf32>
    %slice3A_184 = vector.extract_strided_slice %mul3A_135 {offsets = [0, 480], sizes = [120, 32], strides = [1, 1]} : vector<120x544xf32> to vector<120x32xf32>
    %dot_general3A_185 = arith.constant dense<0.000000e+00> : vector<120x128xf32>
    %dot_general3A_186 = tpu.matmul %slice3A_184, %get3A_138, %dot_general3A_185 {dimension_numbers = #tpu.dot_dimension_numbers<[1], [0], [0], [1], [0, 0, 1, 1], [], []>, transpose_lhs_hint = false} : vector<120x32xf32>, vector<32x128xf32>, vector<120x128xf32> -> vector<120x128xf32>
    %slice3A_187 = vector.extract_strided_slice %mul3A_135 {offsets = [0, 512], sizes = [120, 32], strides = [1, 1]} : vector<120x544xf32> to vector<120x32xf32>
    %dot_general3A_188 = arith.constant dense<0.000000e+00> : vector<120x128xf32>
    %dot_general3A_189 = tpu.matmul %slice3A_187, %get3A_138, %dot_general3A_188 {dimension_numbers = #tpu.dot_dimension_numbers<[1], [0], [0], [1], [0, 0, 1, 1], [], []>, transpose_lhs_hint = false} : vector<120x32xf32>, vector<32x128xf32>, vector<120x128xf32> -> vector<120x128xf32>
    %concatenate3A_190 = tpu.concatenate %dot_general3A_141, %dot_general3A_144, %dot_general3A_147, %dot_general3A_150, %dot_general3A_153, %dot_general3A_156, %dot_general3A_159, %dot_general3A_162, %dot_general3A_165, %dot_general3A_168, %dot_general3A_171, %dot_general3A_174, %dot_general3A_177, %dot_general3A_180, %dot_general3A_183, %dot_general3A_186, %dot_general3A_189 in 1 : vector<120x128xf32>, vector<120x128xf32>, vector<120x128xf32>, vector<120x128xf32>, vector<120x128xf32>, vector<120x128xf32>, vector<120x128xf32>, vector<120x128xf32>, vector<120x128xf32>, vector<120x128xf32>, vector<120x128xf32>, vector<120x128xf32>, vector<120x128xf32>, vector<120x128xf32>, vector<120x128xf32>, vector<120x128xf32>, vector<120x128xf32> -> vector<120x2176xf32>
    %get3A_191 = arith.constant 0 : index
    %get3A_192 = arith.constant 0 : index
    %get3A_193 = vector.load %arg14[%get3A_191, %get3A_192] : memref<1x2176xf32, #tpu.memory_space<vmem>>, vector<1x2176xf32>
    %add3A_194 = vector.broadcast %get3A_193 : vector<1x2176xf32> to vector<120x2176xf32>
    %add3A_195 = arith.addf %concatenate3A_190, %add3A_194 : vector<120x2176xf32>
    %swap3A = arith.constant 0 : index
    %swap3A_196 = arith.constant 0 : index
    %swap3A_197 = vector.load %arg15[%swap3A, %swap3A_196] : memref<120x2176xf32, #tpu.memory_space<vmem>>, vector<120x2176xf32>
    tpu.vector_store %arg15[%swap3A, %swap3A_196], %add3A_195 {strides = array<i32>} : memref<120x2176xf32, #tpu.memory_space<vmem>>, vector<120x2176xf32>,
    return
  }
  func.func @transform_0(%arg0: i32) -> (i32, i32) {
    %c0_i32 = arith.constant 0 : i32
    %c0_i32_0 = arith.constant 0 : i32
    return %arg0, %c0_i32 : i32, i32
  }
  func.func @transform_1(%arg0: i32) -> (i32, i32) {
    %c0_i32 = arith.constant 0 : i32
    %c0_i32_0 = arith.constant 0 : i32
    %c0_i32_1 = arith.constant 0 : i32
    return %c0_i32, %c0_i32_0 : i32, i32
  }
  func.func @transform_2(%arg0: i32) -> (i32, i32) {
    %c0_i32 = arith.constant 0 : i32
    %c0_i32_0 = arith.constant 0 : i32
    %c0_i32_1 = arith.constant 0 : i32
    return %c0_i32, %c0_i32_0 : i32, i32
  }
  func.func @transform_3(%arg0: i32) -> (i32, i32) {
    %c0_i32 = arith.constant 0 : i32
    %c0_i32_0 = arith.constant 0 : i32
    %c0_i32_1 = arith.constant 0 : i32
    return %c0_i32, %c0_i32_0 : i32, i32
  }
  func.func @transform_4(%arg0: i32) -> (i32, i32) {
    %c0_i32 = arith.constant 0 : i32
    %c0_i32_0 = arith.constant 0 : i32
    %c0_i32_1 = arith.constant 0 : i32
    return %c0_i32, %c0_i32_0 : i32, i32
  }
  func.func @transform_5(%arg0: i32) -> (i32, i32) {
    %c0_i32 = arith.constant 0 : i32
    %c0_i32_0 = arith.constant 0 : i32
    %c0_i32_1 = arith.constant 0 : i32
    return %c0_i32, %c0_i32_0 : i32, i32
  }
  func.func @transform_6(%arg0: i32) -> (i32, i32) {
    %c0_i32 = arith.constant 0 : i32
    %c0_i32_0 = arith.constant 0 : i32
    %c0_i32_1 = arith.constant 0 : i32
    return %c0_i32, %c0_i32_0 : i32, i32
  }
  func.func @transform_7(%arg0: i32) -> (i32, i32) {
    %c0_i32 = arith.constant 0 : i32
    %c0_i32_0 = arith.constant 0 : i32
    %c0_i32_1 = arith.constant 0 : i32
    return %c0_i32, %c0_i32_0 : i32, i32
  }
  func.func @transform_8(%arg0: i32) -> (i32, i32) {
    %c0_i32 = arith.constant 0 : i32
    %c0_i32_0 = arith.constant 0 : i32
    %c0_i32_1 = arith.constant 0 : i32
    return %c0_i32, %c0_i32_0 : i32, i32
  }
  func.func @transform_9(%arg0: i32) -> (i32, i32) {
    %c0_i32 = arith.constant 0 : i32
    %c0_i32_0 = arith.constant 0 : i32
    %c0_i32_1 = arith.constant 0 : i32
    return %c0_i32, %c0_i32_0 : i32, i32
  }
  func.func @transform_10(%arg0: i32) -> (i32, i32) {
    %c0_i32 = arith.constant 0 : i32
    %c0_i32_0 = arith.constant 0 : i32
    %c0_i32_1 = arith.constant 0 : i32
    return %c0_i32, %c0_i32_0 : i32, i32
  }
  func.func @transform_11(%arg0: i32) -> (i32, i32) {
    %c0_i32 = arith.constant 0 : i32
    %c0_i32_0 = arith.constant 0 : i32
    %c0_i32_1 = arith.constant 0 : i32
    return %c0_i32, %c0_i32_0 : i32, i32
  }
  func.func @transform_12(%arg0: i32) -> (i32, i32) {
    %c0_i32 = arith.constant 0 : i32
    %c0_i32_0 = arith.constant 0 : i32
    %c0_i32_1 = arith.constant 0 : i32
    return %c0_i32, %c0_i32_0 : i32, i32
  }
  func.func @transform_13(%arg0: i32) -> (i32, i32) {
    %c0_i32 = arith.constant 0 : i32
    %c0_i32_0 = arith.constant 0 : i32
    %c0_i32_1 = arith.constant 0 : i32
    return %c0_i32, %c0_i32_0 : i32, i32
  }
  func.func @transform_14(%arg0: i32) -> (i32, i32) {
    %c0_i32 = arith.constant 0 : i32
    %c0_i32_0 = arith.constant 0 : i32
    return %arg0, %c0_i32 : i32, i32
  }
}

</mosaic_0001>

<sc_bundles>
// kernel: sparse-core-data-format-call.cloned.1.call-start
scs
called_computation_lowered:
.L_overlay_start_0:
0x0: {  	s2 =	sld [smem:$0x3FD9]  }
0x1: {  	s3 =	sld [smem:$0x3FFE];
	_ =	sdelay $0x1  }
0x2: {  	s1 =	srdreg.scid  }
0x3: {  	s0 =	sand.u32 $0x1, s1  }
0x4: {  	s18 =	sshll.u32 s0, $0xA;
	s2 =	sadd.s32 s3, s2  }
0x5: {  	s2 =	sadd.s32 s2, s18  }
0x6: {  	[smem:$0x3FBB] =	sst s2  }
0x7: {  	_ = 	snop  }
0x8: {  	s2 =	sld [smem:$0x3FD0];
	(tm) =	ssettm $0x1  }
0x9: {  	s19 =	sld [smem:$0x3FFB];
	_ =	sdelay $0x3  }
0xa: {  	_ =	strace s19  }
0xb: {  	s3 =	sld [smem:$0x3FFC];
	_ =	sdelay $0x3  }
0xc: {  	_ =	strace s3  }
0xd: {  	s3 =	sld [smem:$0x3FFD];
	_ =	sdelay $0x3  }
0xe: {  	_ =	strace s3  }
0xf: {  	_ =	strace $0x8FFFFFFF  }
0x10: {  	s20 =	sld [smem:$0x3FDB];
	_ =	sdelay $0x1  }
0x11: {  	s4 =	simm.s32 $_scs_section_size  }
0x12: {  	s5 =	simm.s32 $_size__tile_overlayer_lowered;
	s6 =	simm.s32 $_tile_overlayer_lowered  }
0x13: {  	s23 =	simm.s32 $0x1BFF;
	s22 =	sshll.u32 s6, $0x1;
	s3 =	sadd.s32 s4, s20  }
0x14: {  	s7 =	simm.s32 $0x0;
	s21 =	sshll.u32 s5, $0x1;
	s5 =	sadd.s32 s22, s3  }
0x15: {  	[timem:s7], [sflag:s23] =	dma.local [hbm:s5], s21  }
0x16: {  	_ =	swait.ge [sflag:s23], s21  }
0x17: {  	s4 =	ssub.s32 $0x0, s21;
	[sflag:s23] =	ssyncset.done $0x0  }
0x18: {  	[sflag:s23] =	ssyncadd.s32 s4;
	_ =	sdelay $0x1  }
0x19: {  	s24 =	simm.s32 $0x1B8B  }
0x1a: {  	_ =	swait.ge [sflag:s24], $0x1  }
0x1b: {  	[sflag:s24] =	ssyncset.done $0x0  }
0x1c: {  	s26 =	simm.s32 $0x1B8E;
	s25 =	sld [smem:$0x3FFE];
	[sflag:s24] =	ssyncadd.s32 $0xFFFFFFFF  }
0x1d: {  	s27 =	simm.s32 $execute0_lowered;
	[smem:$0x3FD2] =	sst s26  }
0x1e: {  	s5 =	sshll.u32 s27, $0x1;
	_ =	strace $0x80000046;
	[dreg:$0x1] =	wrdreg $0xFFFFFFFF  }
0x1f: {  	s28 =	simm.s32 $_size_execute0_lowered;
	s3 =	sadd.s32 s3, s5;
	[dreg:$0x0] =	wrdreg $0x0  }
0x20: {  	s5 =	sshll.u32 s28, $0x1;
	[dreg:$0x2] =	wrdreg s3  }
0x21: {  	[dreg:$0x3] =	wrdreg s5  }
0x22: {  	[dreg:$0x4] =	wrdreg $0xC0  }
0x23: {  	_ =	task [dreg:s7], $0x5FFFF  }
0x24: {  	[dreg:$0x1] =	wrdreg $0xFFFFFFFF  }
0x25: {  	[dreg:$0x0] =	wrdreg $0x60  }
0x26: {  	[dreg:$0x2] =	wrdreg s25  }
0x27: {  	[dreg:$0x3] =	wrdreg s2  }
0x28: {  	[dreg:$0x4] =	wrdreg $0x9  }
0x29: {  	_ =	task.clear_ibuf [dreg:s7], $0x5FFFF;
	_ =	strace $0x90000046  }
0x2a: {  	s29 =	simm.s32 $0x9;
	_ =	strace $0x80000048  }
0x2b: {  	_ =	swait.ge [sflag:s29], $0x1  }
0x2c: {  	[sflag:s29] =	ssyncadd.s32 $0xFFFFFFFF  }
0x2d: {  	_ =	strace $0x90000048  }
0x2e: {  	_ =	sfence  }
0x2f: {  	s30 =	sld [smem:$0x0];
	_ =	sdelay $0x2  }
0x30: {  	s31 =	sshll.u32 s1, $0xD;
	s1 =	sshrl.u32 s1, $0x2  }
0x31: {  	s3 =	sand.u32 $0x4000, s31;
	s1 =	sadd.s32 s1, s30  }
0x32: {  	s0 =	sor.u32 s3, s0;
	s1 =	sshll.u32 s1, $0x11  }
0x33: {  	s0 =	sor.u32 s1, s0  }
0x34: {  	s0 =	sadd.s32 $0x8F2B, s0  }
0x35: {  	[sflag:s0] =	ssyncadd.remote.s32 $0x1  }
0x36: {  	_ =	sfence.sel $0xFFFF  }
0x37: {  	[dreg:$0x0] =	wrdreg $0xFFFFFFFF;
	(pc) =	sbr.abs _section_cstart, $3  }
0x38: {  	[dreg:$0x1] =	wrdreg $0xFFFFFFFF  }
0x39: {  	_ =	task.clear_ibuf [dreg:s7], $0x2FFFF;
	_ =	strace $0x9FFFFFFF  }
0x3a: {  	(tm) =	ssettm $0x7FFFFFFF  }
0x3b: {  	_ =	shalt  }
tec
execute0_lowered:
.L_overlay_start_1:
0x0: {  	(tag) =	ssettag $0x1  }
0x1: {  	s0 =	srdreg.scid;
	s5 =	rddreg [dreg:$0x0]  }
0x2: {  	s2 =	rddreg [dreg:$0x1];
	s4 =	simm.s32 $0x1;
	s7 =	simm.s32 $0x2  }
0x3: {  	s16 =	simm.s32 $0x0;
	p0 =	por $0x0, $0x0;
	s1 =	sshll.u32 s0, $0x4  }
0x4: {  	s15 =	simm.s32 $0x0;
	s0 =	stileid.u32;
	s1 =	sand.u32 $0x10, s1  }
0x5: {  	s17 =	simm.s32 $0x0;
	s9 =	simm.s32 $0x0;
	s1 =	sor.u32 s0, s1  }
0x6: {  	s10 =	simm.s32 $0x0;
	s12 =	simm.s32 $0x0;
	s3 =	sshll.u32 s1, $0x7  }
.Ltmp0:
0x7: {  	s13 =	simm.s32 $0x0;
	s6 =	ssub.s32 $0x1700, s3;
	(pc) =	sbr.rel .LBB1_1-.Ltmp0, $4  }
0x8: {  	s1 =	rddreg [dreg:$0x2];
	_ =	strace $0x80000047;
	s6 =	sshrl.u32 s6, $0xC  }
0x9: {  	s14 =	simm.s32 $0x0;
	[sflag:s4] =	ssyncpa.u1 $0x0;
	s8 =	smul.u32 $0x11, s6  }
0xa: {  	s5 =	sadd.s32 $0x1600, s5;
	s11 =	smov.u32 s3;
	[sflag:s7] =	ssyncpa.u1 $0x0  }
0xb: {  	s6 =	sadd.s32 $0x11, s8;
	s7 =	sadd.s32 $0x12, s8;
	s8 =	simm.s32 $0x0  }
.LBB1_5:
0xc: {  	p1 =	slt.u32 s14, $0x2  }
0xd: {  	p2 =	sgt.s32 @!p1 s17, $0x10  }
0xe: {  	s18 =	smov.u32 s17;
	s19 =	sshra.s32 @!p1 s17, $0x1F;
	p2 =	por !p2, p1  }
0xf: {  	s17 =	sand.u32 @!p1 s19, s17;
	s18 =	simm.s32 @p2 $0x10  }
0x10: {  	p2 =	sgt.s32 @!p1 s16, $0x16F0;
	s17 =	ssub.s32 @!p1 s18, s17  }
0x11: {  	s19 =	sshra.s32 @!p1 s16, $0x1F;
	p2 =	por !p2, p1;
	s18 =	sadd.s32 @!p1 $0xFFFFFFF0, s17  }
0x12: {  	s17 =	ssub.s32 @!p1 $0x11, s17;
	p3 =	sgt.s32 @!p1 s18, $0x0;
	s18 =	smov.u32 s16  }
0x13: {  	s16 =	sand.u32 @!p1 s19, s16;
	s19 =	ssub.s32 @!p1 $0x0, s15;
	s18 =	simm.s32 @p2 $0x16F0  }
0x14: {  	p2 =	por !p3, p1;
	s15 =	smin.u32 @!p1 s15, s19;
	s19 =	smov.u32 s12  }
0x15: {  	s17 =	simm.s32 @!p2 $0x0;
	s16 =	ssub.s32 @!p1 s18, s16;
	p2 =	sgt.s32 @!p1 s15, $0x7F  }
0x16: {  	s15 =	ssub.s32 @!p1 $0x80, s15;
	s18 =	sadd.s32 @!p1 $0xFFFFE910, s16;
	p2 =	por !p2, p1  }
0x17: {  	s16 =	ssub.s32 @!p1 $0x1770, s16;
	s15 =	simm.s32 @!p2 $0x0;
	p2 =	sgt.s32 @!p1 s18, $0x7F  }
0x18: {  	s18 =	sadd.s32 $0x1000, s11;
	p2 =	por !p2, p1;
	s15 =	smul.u32 @!p1 s17, s15  }
0x19: {  	s17 =	sadd.s32 $0x80, s12;
	s16 =	simm.s32 @!p2 $0x0;
	p2 =	sgt.s32 s18, $0x176F  }
0x1a: {  	s15 =	smul.u32 @!p1 s16, s15;
	s19 =	smov.u32 @p2 s17  }
0x1b: {  	s18 =	smov.u32 @p2 s3;
	s16 =	simm.s32 $0x1;
	p2 =	sgt.s32 s19, $0x7F  }
0x1c: {  	s16 =	simm.s32 @!p2 $0x0  }
0x1d: {  	p0 =	por !p0, !p0;
	s22 =	sadd.s32 s16, s13  }
0x1e: {  	s20 =	simm.s32 @!p1 $0x2;
	s19 =	simm.s32 @p2 $0x0;
	p2 =	sgt.s32 s22, $0x10  }
0x1f: {  	s17 =	smov.u32 s10;
	s22 =	simm.s32 @p2 $0x0;
	p2 =	sne.s32 s14, s7  }
.Ltmp1:
0x20: {  	s10 =	smov.u32 s13;
	s15 =	sand.u32 @!p1 $0x3FFFFFFF, s15;
	(pc) =	sbr.rel @!p2 .LBB1_6-.Ltmp1, $4  }
0x21: {  	_ =	swait.ge @!p1 [sflag:s20], s15;
	s21 =	ssub.s32 @!p1 $0x0, s15;
	s16 =	smov.u32 s8  }
0x22: {  	s15 =	smov.u32 s9;
	s8 =	smov.u32 s11;
	s9 =	smov.u32 s12  }
0x23: {  	s11 =	smov.u32 s18;
	s12 =	smov.u32 s19;
	[sflag:s20] =	ssyncset.done @!p1 $0x0  }
0x24: {  	s14 =	sadd.s32 $0x1, s14;
	[sflag:s20] =	ssyncadd.s32 @!p1 s21;
	s13 =	smov.u32 s22  }
.LBB1_1:
0x25: {  	p1 =	sge.u32 s14, s6  }
0x26: {  	s18 =	sshrl.u32 @!p1 s12, $0x3  }
0x27: {  	s19 =	sshll.u32 @!p1 s11, $0x3;
	s18 =	smul.u32 @!p1 $0xBC00, s18  }
0x28: {  	s20 =	sshll.u32 @!p1 s12, $0x7;
	s19 =	sand.u32 @!p1 $0xFFFFFC00, s19  }
0x29: {  	s18 =	sadd.s32 @!p1 s18, s19;
	s19 =	sand.u32 @!p1 $0x380, s20  }
0x2a: {  	s20 =	sand.u32 @!p1 $0x7F, s11;
	s18 =	sor.u32 @!p1 s19, s18  }
0x2b: {  	s19 =	sor.u32 @!p1 s20, s18  }
0x2c: {  	s20 =	smulhi.u32 @!p1 $0xAE4C415D, s19  }
0x2d: {  	s18 =	smulhi.u32 @!p1 $0xAE4C415D, s18  }
0x2e: {  	s20 =	sshrl.u32 @!p1 s20, $0xC  }
0x2f: {  	s18 =	sshrl.u32 @!p1 s18, $0xC;
	s20 =	smul.u32 @!p1 $0x1780, s20  }
0x30: {  	s21 =	sxor.u32 @!p1 $0xFFFFFFFF, s14;
	s22 =	smul.u32 @!p1 $0x17800, s13;
	s18 =	sand.u32 @!p1 $0x7F, s18  }
0x31: {  	s21 =	sshll.u32 @!p1 s21, $0xE;
	s18 =	smul.u32 @!p1 $0x2F0, s18;
	s19 =	ssub.s32 @!p1 s19, s20  }
0x32: {  	s20 =	sand.u32 @!p1 $0x4000, s21;
	s21 =	sadd.s32 @!p1 s5, s22;
	s22 =	sand.u32 @!p1 $0x7, s19  }
0x33: {  	s19 =	sshrl.u32 @!p1 s19, $0x3;
	s18 =	sadd.s32 @!p1 s18, s21;
	s21 =	sshll.u32 @!p1 s22, $0x12  }
0x34: {  	s18 =	sadd.s32 @!p1 s19, s18;
	s19 =	sor.u32 @!p1 $0x400, s21;
	s21 =	simm.s32 @!p1 $0xBC00  }
0x35: {  	[tilespmem:s20], [sflag:$0x1] =	stream.strided.gather @!p1 [hbm4b:s18+s19], $0x4000, s21, s19, $0x38;
	[tilespmem:$0x10100] =	vst v63  }
0x36: {  	p1 =	seq.s32 s14, $0x0  }
0x37: {  	p2 =	sge.u32 @!p1 s14, s7  }
0x38: {  	p1 =	por p1, p2  }
.Ltmp2:
0x39: {  	_ = 	snop;
	(pc) =	sbr.rel @p1 .LBB1_5-.Ltmp2, $1  }
0x3a: {  	_ =	sdelay $0x3  }
0x3b: {  	s18 =	simm.s32 $0x1  }
0x3c: {  	_ =	swait.ge [sflag:s4], $0x4000;
	s18 =	simm.s32 @!p0 $0x0  }
0x3d: {  	[sflag:s4] =	ssyncset.done $0x0;
	s19 =	sshll.u32 s18, $0xE  }
0x3e: {  	[sflag:s4] =	ssyncadd.s32 $0xFFFFC000;
	s19 =	sor.u32 $0x40, s19  }
0x3f: {  	s18 =	smul.u32 $0x10200, s18;
	v0 =	vld [tilespmem:s19+$0x30]  }
0x40: {  	v1 =	vld [tilespmem:s19+$0xFFFFFFD0]  }
0x41: {  	s18 =	sshrl.u32 s18, $0x2;
	v5 =	vld [tilespmem:s19+$0xFFFFFFE0]  }
0x42: {  	v6 =	vld [tilespmem:s19+$0xFFFFFFF0];
	s21 =	sor.u32 $0x8000, s18  }
0x43: {  	s31 =	sand.u32 $0x1, s14;
	v4 =	vld [tilespmem:s19+$0x0];
	s20 =	sadd.s32 $0x0, s21  }
0x44: {  	v3 =	vld [tilespmem:s19+$0x10];
	s18 =	smul.u32 $0x10200, s31;
	[tilespmem:s20+$0x3870 ss:$0x81] =	vst.msk $0xffff, v0  }
0x45: {  	v2 =	vld [tilespmem:s19+$0x20];
	[tilespmem:s20+$0x810 ss:$0x81] =	vst.msk $0xffff, v1  }
0x46: {  	s18 =	sshrl.u32 s18, $0x2;
	v0 =	vld [tilespmem:s19+$0xFFFFFFC0];
	[tilespmem:s20+$0x1020 ss:$0x81] =	vst.msk $0xffff, v5;
	s19 =	sadd.s32 $0x80, s19  }
0x47: {  	s22 =	simm.s32 $0x4;
	s23 =	simm.s32 $0x8;
	s18 =	sor.u32 $0x8000, s18;
	[tilespmem:s20+$0x1830 ss:$0x81] =	vst.msk $0xffff, v6;
	v1 =	vld [tilespmem:s19+$0x30]  }
.LBB1_3:
0x48: {  	p1 =	sne.s32 s23, $0x1FC;
	v5 =	vld [tilespmem:s19+$0xFFFFFFD0];
	[tilespmem:s20+$0x2040 ss:$0x81] =	vst.msk $0xffff, v4  }
0x49: {  	v6 =	vld [tilespmem:s19+$0xFFFFFFE0];
	[tilespmem:s20+$0x2850 ss:$0x81] =	vst.msk $0xffff, v3  }
0x4a: {  	s24 =	sshra.s32 s22, $0x2;
	s22 =	smov.u32 s23;
	v7 =	vld [tilespmem:s19+$0xFFFFFFF0];
	[tilespmem:s20+$0x3060 ss:$0x81] =	vst.msk $0xffff, v2  }
.Ltmp3:
0x4b: {  	v4 =	vld [tilespmem:s19+$0x0];
	[tilespmem:s20+$0x0 ss:$0x81] =	vst.msk $0xffff, v0;
	s20 =	sadd.s32 s24, s21;
	(pc) =	sbr.rel @p1 .LBB1_3-.Ltmp3, $4  }
0x4c: {  	v3 =	vld [tilespmem:s19+$0x10];
	[tilespmem:s20+$0x3870 ss:$0x81] =	vst.msk $0xffff, v1  }
0x4d: {  	[tilespmem:s20+$0x810 ss:$0x81] =	vst.msk $0xffff, v5;
	v2 =	vld [tilespmem:s19+$0x20]  }
0x4e: {  	v0 =	vld [tilespmem:s19+$0xFFFFFFC0];
	[tilespmem:s20+$0x1020 ss:$0x81] =	vst.msk $0xffff, v6;
	s19 =	sadd.s32 $0x80, s19  }
0x4f: {  	s23 =	sadd.s32 $0x4, s23;
	v1 =	vld [tilespmem:s19+$0x30];
	[tilespmem:s20+$0x1830 ss:$0x81] =	vst.msk $0xffff, v7  }
0x50: {  	s23 =	sshll.u32 s8, $0x7;
	s24 =	sshll.u32 s9, $0x3  }
0x51: {  	p1 =	sgt.s32 s10, $0x10;
	s26 =	sshra.s32 s10, $0x1F;
	s22 =	sshra.s32 s22, $0x2  }
0x52: {  	s29 =	ssub.s32 $0x0, s9;
	s25 =	sand.u32 $0xFFFFFC00, s23;
	s24 =	sand.u32 $0xFFFFFC00, s24  }
0x53: {  	[tilespmem:s20+$0x2040 ss:$0x81] =	vst.msk $0xffff, v4;
	s30 =	sshra.s32 s8, $0x1F;
	s23 =	sand.u32 $0x380, s23;
	s24 =	sadd.s32 s24, s25  }
0x54: {  	s21 =	sadd.s32 s22, s21;
	[tilespmem:s20+$0x2850 ss:$0x81] =	vst.msk $0xffff, v3;
	s23 =	sor.u32 s23, s24;
	s24 =	smov.u32 s10  }
0x55: {  	s25 =	sand.u32 s26, s10;
	[tilespmem:s20+$0x3060 ss:$0x81] =	vst.msk $0xffff, v2;
	s23 =	sshrl.u32 s23, $0x7;
	s24 =	simm.s32 @!p1 $0x10  }
0x56: {  	v5 =	vld [tilespmem:s19+$0xFFFFFFD0];
	[tilespmem:s20+$0x0 ss:$0x81] =	vst.msk $0xffff, v0;
	s20 =	sand.u32 s30, s8;
	s26 =	smulhi.u32 $0x2BB0CF9, s23;
	s24 =	ssub.s32 s24, s25  }
0x57: {  	v58 =	vld [tilespmem:s19+$0xFFFFFFE0];
	s27 =	sadd.s32 $0xFFFFFFF0, s24;
	s22 =	ssub.s32 $0x11, s24;
	s24 =	smov.u32 s8  }
0x58: {  	v59 =	vld [tilespmem:s19+$0xFFFFFFF0];
	s28 =	sshrl.u32 s26, $0x6;
	p1 =	sgt.s32 s27, $0x0;
	s26 =	smin.u32 s9, s29  }
0x59: {  	v60 =	vld [tilespmem:s19+$0x0];
	s27 =	smul.u32 $0x17700, s10;
	s22 =	simm.s32 @p1 $0x0;
	p1 =	sgt.s32 s8, $0x16F0  }
0x5a: {  	v61 =	vld [tilespmem:s19+$0x10];
	[tilespmem:s21+$0x3870 ss:$0x81] =	vst.msk $0xffff, v1;
	s24 =	simm.s32 @!p1 $0x16F0;
	p1 =	sgt.s32 s26, $0x7F;
	s26 =	ssub.s32 $0x80, s26  }
0x5b: {  	v62 =	vld [tilespmem:s19+$0x20];
	[tilespmem:s21+$0x810 ss:$0x81] =	vst.msk $0xffff, v5;
	s31 =	smul.u32 $0x1770, s28;
	s20 =	ssub.s32 s24, s20;
	s26 =	simm.s32 @p1 $0x0  }
0x5c: {  	v63 =	vld [tilespmem:s19+$0xFFFFFFC0];
	[tilespmem:s21+$0x1020 ss:$0x81] =	vst.msk $0xffff, v58;
	s25 =	smul.u32 s22, s26;
	s26 =	sadd.s32 $0xFFFFE910, s20  }
0x5d: {  	[tilespmem:s21+$0x1830 ss:$0x81] =	vst.msk $0xffff, v59;
	s28 =	sshrl.u32 s9, $0x3;
	s20 =	ssub.s32 $0x1770, s20;
	p1 =	sgt.s32 s26, $0x7F  }
.Ltmp4:
0x5e: {  	[tilespmem:s21+$0x2040 ss:$0x81] =	vst.msk $0xffff, v60;
	s29 =	sand.u32 $0xF, s28;
	s20 =	simm.s32 @p1 $0x0;
	(pc) =	sbr.rel .LBB1_5-.Ltmp4, $4  }
0x5f: {  	[tilespmem:s21+$0x2850 ss:$0x81] =	vst.msk $0xffff, v61;
	s23 =	ssub.s32 s23, s31;
	s22 =	sadd.s32 s2, s27;
	s19 =	smul.u32 s20, s25  }
0x60: {  	[tilespmem:s21+$0x3060 ss:$0x81] =	vst.msk $0xffff, v62;
	s30 =	sshll.u32 s23, $0x4;
	s20 =	sadd.s32 s29, s22  }
0x61: {  	[tilespmem:s21+$0x0 ss:$0x81] =	vst.msk $0xffff, v63;
	s31 =	sand.u32 $0x7, s9;
	s20 =	sadd.s32 s30, s20;
	s19 =	sand.u32 $0x3FFFFFFF, s19  }
0x62: {  	[hbm4b:s20+s31] =	stream.linear.scatter [tilespmem:s18], [sflag:$0x2], s19, $0x20;
	[tilespmem:$0x10100] =	vst v63  }
.LBB1_6:
0x63: {  	_ =	sfence.sel $0x180000  }
0x64: {  	s2 =	simm.s32 $0x1;
	[bflag:$0x0] =	sbarrier.arrive $0xFFFF  }
0x65: {  	s31 =	simm.s32 $0x2;
	[sflag:s2] =	ssyncpa.u1 $0x1  }
0x66: {  	[sflag:s31] =	ssyncpa.u1 $0x1  }
0x67: {  	p0 =	sne.s32 s0, $0x0;
	_ =	strace $0x90000047  }
0x68: {  	s0 =	sadd.s32 @!p0 $0x100000, s1;
	[bflag:$0x2] =	sbarrier.arrive $0xFFFF  }
0x69: {  	[sflag:s0] =	ssyncadd.tile.s32 @!p0 $0x1;
	_ =	shalt  }
.Lfunc_end1:
_tile_overlayer_lowered:
.L_overlay_start_2:
0x6a: {  	(tag) =	ssettag $0x2  }
0x6b: {  	s0 =	rddreg [dreg:$0x0];
	s2 =	stileid.u32  }
0x6c: {  	s1 =	rddreg [dreg:$0x1];
	p0 =	sne.s32 s2, $0x0  }
0x6d: {  	s3 =	rddreg [dreg:$0x2];
	[bflag:$0x3] =	sbarrier.arrive $0xFFFF;
	s2 =	simm.s32 @!p0 $0x1C01  }
0x6e: {  	[timem:s3], [sflag:s2] =	dma.local @!p0 [hbm:s0], s1  }
0x6f: {  	s0 =	simm.s32 @!p0 $0x1  }
0x70: {  	_ =	swait.ge @!p0 [sflag:s0], s1  }
0x71: {  	s1 =	ssub.s32 @!p0 $0x0, s1;
	[sflag:s0] =	ssyncset.done @!p0 $0x0  }
0x72: {  	[sflag:s0] =	ssyncadd.s32 @!p0 s1  }
0x73: {  	[bflag:$0x3] =	sbarrier.arrive $0xFFFF  }
0x74: {  	_ =	shalt  }

</sc_bundles>
